<compile_context>
chip_gen: v7x
topology: tpu7x:2x2x1
jax: 0.10.2.dev20260603
libtpu: 0.0.44.dev20260713+nightly
codegen_flags: <defaults>
</compile_context>

<pallas_src>
import functools

import jax
import jax.numpy as jnp
from jax import lax
from jax.experimental import pallas as pl
from jax.experimental.pallas import tpu as pltpu
from jax.experimental.pallas import tpu_sc as plsc

N_NODES = 10000
N_EDGES = 320000
NODE_DIM = 128
MAX_DEG = 256

NB = 10240
HROWS = NB // 128
NSUB = 16
EPW = N_EDGES // NSUB
CHUNKS = EPW // 16
EHALF = EPW // 2


def _sc_degree_body(edge_hbm, hists_hbm, edgebuf, hist, hist2, sem0, sem1):
    cid = lax.axis_index("c")
    sid = lax.axis_index("s")
    erow = 1 - cid
    base = erow * N_EDGES + sid * EPW

    cp0 = pltpu.async_copy(
        edge_hbm.at[pl.ds(base, EHALF)], edgebuf.at[pl.ds(0, EHALF)], sem0)
    cp1 = pltpu.async_copy(
        edge_hbm.at[pl.ds(base + EHALF, EHALF)],
        edgebuf.at[pl.ds(EHALF, EHALF)], sem1)

    zeros16 = jnp.zeros((16,), jnp.int32)

    @plsc.parallel_loop(0, NB // 16, 1, unroll=8)
    def _(i):
        hist[pl.ds(i * 16, 16)] = zeros16

    ones16 = jnp.ones((16,), jnp.int32)

    cp0.wait()

    @plsc.parallel_loop(0, CHUNKS // 2, 1, unroll=10)
    def _(i):
        idx = edgebuf[pl.ds(i * 16, 16)]
        plsc.addupdate_scatter(hist, [idx], ones16)

    cp1.wait()

    @plsc.parallel_loop(CHUNKS // 2, CHUNKS, 1, unroll=10)
    def _(i):
        idx = edgebuf[pl.ds(i * 16, 16)]
        plsc.addupdate_scatter(hist, [idx], ones16)

    pltpu.sync_copy(hist, hists_hbm.at[pl.ds((cid * NSUB + sid) * NB, NB)])


def _sc_degrees(edge_index):
    mesh = plsc.VectorSubcoreMesh(core_axis_name="c", subcore_axis_name="s")
    f = functools.partial(
        pl.kernel,
        mesh=mesh,
        out_type=jax.ShapeDtypeStruct((2 * NSUB * NB,), jnp.int32),
        scratch_types=[
            pltpu.VMEM((EPW,), jnp.int32),
            pltpu.VMEM((NB,), jnp.int32),
            pltpu.VMEM((NB,), jnp.int32),
            pltpu.SemaphoreType.DMA,
            pltpu.SemaphoreType.DMA,
        ],
        compiler_params=pltpu.CompilerParams(needs_layout_passes=False),
    )(_sc_degree_body)
    return f(edge_index.reshape(-1))


BLK = 2048


def _tree_sum16(a):
    vals = [a[t] for t in range(NSUB)]
    while len(vals) > 1:
        vals = [vals[i] + vals[i + 1] for i in range(0, len(vals), 2)]
    return vals[0]


def _tc_encode_body(h_ref, x_ref, zin_ref, zout_ref, out_ref):
    h = h_ref[...]
    din = jnp.minimum(_tree_sum16(h[0]), MAX_DEG - 1).reshape(BLK)
    dout = jnp.minimum(_tree_sum16(h[1]), MAX_DEG - 1).reshape(BLK)
    iota_t = lax.broadcasted_iota(jnp.int32, (MAX_DEG, BLK), 0)
    oh_in_t = (din[None, :] == iota_t).astype(jnp.float32)
    oh_out_t = (dout[None, :] == iota_t).astype(jnp.float32)
    dn = (((0,), (0,)), ((), ()))
    acc = lax.dot_general(oh_in_t, zin_ref[...], dn,
                          preferred_element_type=jnp.float32)
    acc = acc + lax.dot_general(oh_out_t, zout_ref[...], dn,
                                preferred_element_type=jnp.float32)
    out_ref[...] = x_ref[...] + acc


def _tc_encode(hists, x, z_in, z_out):
    grid = (NB // BLK,)
    return pl.pallas_call(
        _tc_encode_body,
        grid=grid,
        in_specs=[
            pl.BlockSpec((2, NSUB, BLK // 128, 128), lambda i: (0, 0, i, 0)),
            pl.BlockSpec((BLK, NODE_DIM), lambda i: (i, 0)),
            pl.BlockSpec((MAX_DEG, NODE_DIM), lambda i: (0, 0)),
            pl.BlockSpec((MAX_DEG, NODE_DIM), lambda i: (0, 0)),
        ],
        out_specs=pl.BlockSpec((BLK, NODE_DIM), lambda i: (i, 0)),
        out_shape=jax.ShapeDtypeStruct((N_NODES, NODE_DIM), jnp.float32),
    )(hists, x, z_in, z_out)


def kernel(x, edge_index, edge_attr, voronoi_values, centralities, z_in, z_out):
    hists = _sc_degrees(edge_index).reshape(2, NSUB, HROWS, 128)
    return _tc_encode(hists, x, z_in, z_out)

# --- scband reference (transcript-rebuilt; emitter-appended) ---
"""Pipeline reference for scband-centrality-encoding-38517266710630 (READ-ONLY COPY).

The authoritative reference and input builder live on the scoring server;
editing this copy changes nothing except your own understanding.
"""

import jax, jax.numpy as jnp
import numpy as np

N_NODES = 10000
N_EDGES = 320000
NODE_DIM = 128
EDGE_DIM = 16
MAX_IN_DEGREE = 256
MAX_OUT_DEGREE = 256


def setup_inputs(seed: int = 0) -> dict:
    key = jax.random.key(seed)
    ks = jax.random.split(key, 7)
    x = jax.random.normal(ks[0], (N_NODES, NODE_DIM), dtype=jnp.float32)
    edge_index = jax.random.randint(ks[1], (2, N_EDGES), 0, N_NODES, dtype=jnp.int32)
    edge_attr = jax.random.normal(ks[2], (N_EDGES, EDGE_DIM), dtype=jnp.float32)
    voronoi_values = jax.random.uniform(ks[3], (N_NODES, 1), dtype=jnp.float32)
    centralities = jax.random.uniform(ks[4], (N_NODES, 1), dtype=jnp.float32)
    # learned parameters
    z_in = jax.random.normal(ks[5], (MAX_IN_DEGREE, NODE_DIM), dtype=jnp.float32)
    z_out = jax.random.normal(ks[6], (MAX_OUT_DEGREE, NODE_DIM), dtype=jnp.float32)
    return {
        "x": x,
        "edge_index": edge_index,
        "edge_attr": edge_attr,
        "voronoi_values": voronoi_values,
        "centralities": centralities,
        "z_in": z_in,
        "z_out": z_out,
    }


def reference(x, edge_index, edge_attr, voronoi_values, centralities, z_in, z_out):
    num_nodes = x.shape[0]
    # degree(index=edge_index[1]) -> in-degree per node, clipped to max_in_degree-1
    in_degree = jnp.minimum(
        jnp.bincount(edge_index[1], length=num_nodes), MAX_IN_DEGREE - 1
    )
    out_degree = jnp.minimum(
        jnp.bincount(edge_index[0], length=num_nodes), MAX_OUT_DEGREE - 1
    )
    # Graphormer branch: x += z_in[in_degree] + z_out[out_degree]
    out = x + jnp.take(z_in, in_degree, axis=0) + jnp.take(z_out, out_degree, axis=0)
    return out

if __name__ == "__main__":
    import jax
    _d = setup_inputs()
    print(jax.jit(kernel)(*tuple(_d.values())))

</pallas_src>

<mosaic_0001>
#map = affine_map<(d0, d1) -> (0)>
module attributes {stable_mosaic.version = 14 : i64} {
  func.func @_sc_degree_body(%arg0: i32, %arg1: i32, %arg2: memref<640000xi32, #tpu.memory_space<hbm>>, %arg3: memref<327680xi32, #tpu.memory_space<hbm>>, %arg4: memref<20000xi32, #tpu.memory_space<vmem>>, %arg5: memref<10240xi32, #tpu.memory_space<vmem>>, %arg6: memref<10240xi32, #tpu.memory_space<vmem>>, %arg7: memref<!tpu.dma_semaphore, #tpu.memory_space<semaphore_mem>>, %arg8: memref<!tpu.dma_semaphore, #tpu.memory_space<semaphore_mem>>) attributes {dimension_semantics = [#tpu.dimension_semantics<core_parallel>, #tpu.dimension_semantics<subcore_parallel>], iteration_bounds = array<i64: 2, 16>, scalar_prefetch = 0 : i64, scratch_operands = 5 : i64, tpu.core_type = #tpu.core_type<sc_vector_subcore>, window_params = [{transform_indices = #map}, {transform_indices = #map}]} {
    %sub3A = arith.constant 1 : i32
    %sub3A_0 = arith.subi %sub3A, %arg0 : i32
    %mul3A = arith.constant 320000 : i32
    %mul3A_1 = arith.muli %sub3A_0, %mul3A : i32
    %mul3A_2 = arith.constant 20000 : i32
    %mul3A_3 = arith.muli %arg1, %mul3A_2 : i32
    %add3A = arith.addi %mul3A_1, %mul3A_3 : i32
    %dma_start3A = arith.constant 0 : i32
    %dma_start3A_4 = tpu.memref_slice %arg4[%dma_start3A] : memref<20000xi32, #tpu.memory_space<vmem>> -> memref<10000xi32, #tpu.memory_space<vmem>>
    %dma_start3A_5 = tpu.memref_slice %arg2[%add3A] : memref<640000xi32, #tpu.memory_space<hbm>> -> memref<10000xi32, #tpu.memory_space<hbm>>
    %dma_start3A_6 = arith.constant 0 : i32
    %dma_start3A_7 = tpu.memref_slice %arg4[%dma_start3A_6] : memref<20000xi32, #tpu.memory_space<vmem>> -> memref<10000xi32, #tpu.memory_space<vmem>>
    %dma_start3A_8 = tpu.memref_slice %arg2[%add3A] : memref<640000xi32, #tpu.memory_space<hbm>> -> memref<10000xi32, #tpu.memory_space<hbm>>
    tpu.enqueue_dma source(%dma_start3A_8 : memref<10000xi32, #tpu.memory_space<hbm>>) target(%dma_start3A_7 : memref<10000xi32, #tpu.memory_space<vmem>>) target_semaphore(%arg7 : memref<!tpu.dma_semaphore, #tpu.memory_space<semaphore_mem>>)
    %add3A_9 = arith.constant 10000 : i32
    %add3A_10 = arith.addi %add3A, %add3A_9 : i32
    %dma_start3A_11 = arith.constant 10000 : i32
    %dma_start3A_12 = tpu.memref_slice %arg4[%dma_start3A_11] : memref<20000xi32, #tpu.memory_space<vmem>> -> memref<10000xi32, #tpu.memory_space<vmem>>
    %dma_start3A_13 = tpu.memref_slice %arg2[%add3A_10] : memref<640000xi32, #tpu.memory_space<hbm>> -> memref<10000xi32, #tpu.memory_space<hbm>>
    %dma_start3A_14 = arith.constant 10000 : i32
    %dma_start3A_15 = tpu.memref_slice %arg4[%dma_start3A_14] : memref<20000xi32, #tpu.memory_space<vmem>> -> memref<10000xi32, #tpu.memory_space<vmem>>
    %dma_start3A_16 = tpu.memref_slice %arg2[%add3A_10] : memref<640000xi32, #tpu.memory_space<hbm>> -> memref<10000xi32, #tpu.memory_space<hbm>>
    tpu.enqueue_dma source(%dma_start3A_16 : memref<10000xi32, #tpu.memory_space<hbm>>) target(%dma_start3A_15 : memref<10000xi32, #tpu.memory_space<vmem>>) target_semaphore(%arg8 : memref<!tpu.dma_semaphore, #tpu.memory_space<semaphore_mem>>)
    %broadcast_in_dim3A = arith.constant 0 : i32
    %broadcast_in_dim3A_17 = vector.broadcast %broadcast_in_dim3A : i32 to vector<16xi32>
    %parallel_loop3A = arith.constant 0 : i32
    %parallel_loop3A_18 = arith.constant 640 : i32
    %parallel_loop3A_19 = arith.constant 1 : i32
    scf.for %parallel_loop3A_44 = %parallel_loop3A to %parallel_loop3A_18 step %parallel_loop3A_19  : i32 {
      %parallel_loop3A_45 = arith.constant 16 : i32
      %parallel_loop3A_46 = arith.muli %parallel_loop3A_44, %parallel_loop3A_45 : i32
      %parallel_loop3A_47 = arith.index_cast %parallel_loop3A_46 : i32 to index
      %parallel_loop3A_48 = tpu.vector_load %arg5[%parallel_loop3A_47] {strides = array<i32>} : memref<10240xi32, #tpu.memory_space<vmem>>, vector<16xi32>,
      tpu.vector_store %arg5[%parallel_loop3A_47], %broadcast_in_dim3A_17 {strides = array<i32>} : memref<10240xi32, #tpu.memory_space<vmem>>, vector<16xi32>,
    } {sc.loop_unroll_factor = 8 : i64, sc.parallel_access}
    %broadcast_in_dim3A_20 = arith.constant 1 : i32
    %broadcast_in_dim3A_21 = vector.broadcast %broadcast_in_dim3A_20 : i32 to vector<16xi32>
    %dma_wait3A = arith.constant 0 : i32
    %dma_wait3A_22 = tpu.memref_slice %arg4[%dma_wait3A] : memref<20000xi32, #tpu.memory_space<vmem>> -> memref<10000xi32, #tpu.memory_space<vmem>>
    %dma_wait3A_23 = tpu.memref_slice %arg2[%add3A] : memref<640000xi32, #tpu.memory_space<hbm>> -> memref<10000xi32, #tpu.memory_space<hbm>>
    %dma_wait3A_24 = arith.constant 0 : i32
    %dma_wait3A_25 = tpu.memref_slice %arg4[%dma_wait3A_24] : memref<20000xi32, #tpu.memory_space<vmem>> -> memref<10000xi32, #tpu.memory_space<vmem>>
    %dma_wait3A_26 = tpu.memref_slice %arg2[%add3A] : memref<640000xi32, #tpu.memory_space<hbm>> -> memref<10000xi32, #tpu.memory_space<hbm>>
    tpu.wait_dma2 semaphore(%arg7 : memref<!tpu.dma_semaphore, #tpu.memory_space<semaphore_mem>>) src(%dma_wait3A_26 : memref<10000xi32, #tpu.memory_space<hbm>>) dst(%dma_wait3A_25 : memref<10000xi32, #tpu.memory_space<vmem>>)
    %parallel_loop3A_27 = arith.constant 0 : i32
    %parallel_loop3A_28 = arith.constant 625 : i32
    %parallel_loop3A_29 = arith.constant 1 : i32
    scf.for %parallel_loop3A_44 = %parallel_loop3A_27 to %parallel_loop3A_28 step %parallel_loop3A_29  : i32 {
      %parallel_loop3A_45 = arith.constant 16 : i32
      %parallel_loop3A_46 = arith.muli %parallel_loop3A_44, %parallel_loop3A_45 : i32
      %parallel_loop3A_47 = arith.index_cast %parallel_loop3A_46 : i32 to index
      %parallel_loop3A_48 = tpu.vector_load %arg4[%parallel_loop3A_47] {strides = array<i32>} : memref<20000xi32, #tpu.memory_space<vmem>>, vector<16xi32>,
      tpu.vector_store_idx %arg5[%parallel_loop3A_48], %broadcast_in_dim3A_21 {add = true} : memref<10240xi32, #tpu.memory_space<vmem>>[vector<16xi32>], vector<16xi32>,
    } {sc.loop_unroll_factor = 10 : i64, sc.parallel_access}
    %dma_wait3A_30 = arith.constant 10000 : i32
    %dma_wait3A_31 = tpu.memref_slice %arg4[%dma_wait3A_30] : memref<20000xi32, #tpu.memory_space<vmem>> -> memref<10000xi32, #tpu.memory_space<vmem>>
    %dma_wait3A_32 = tpu.memref_slice %arg2[%add3A_10] : memref<640000xi32, #tpu.memory_space<hbm>> -> memref<10000xi32, #tpu.memory_space<hbm>>
    %dma_wait3A_33 = arith.constant 10000 : i32
    %dma_wait3A_34 = tpu.memref_slice %arg4[%dma_wait3A_33] : memref<20000xi32, #tpu.memory_space<vmem>> -> memref<10000xi32, #tpu.memory_space<vmem>>
    %dma_wait3A_35 = tpu.memref_slice %arg2[%add3A_10] : memref<640000xi32, #tpu.memory_space<hbm>> -> memref<10000xi32, #tpu.memory_space<hbm>>
    tpu.wait_dma2 semaphore(%arg8 : memref<!tpu.dma_semaphore, #tpu.memory_space<semaphore_mem>>) src(%dma_wait3A_35 : memref<10000xi32, #tpu.memory_space<hbm>>) dst(%dma_wait3A_34 : memref<10000xi32, #tpu.memory_space<vmem>>)
    %parallel_loop3A_36 = arith.constant 625 : i32
    %parallel_loop3A_37 = arith.constant 1250 : i32
    %parallel_loop3A_38 = arith.constant 1 : i32
    scf.for %parallel_loop3A_44 = %parallel_loop3A_36 to %parallel_loop3A_37 step %parallel_loop3A_38  : i32 {
      %parallel_loop3A_45 = arith.constant 16 : i32
      %parallel_loop3A_46 = arith.muli %parallel_loop3A_44, %parallel_loop3A_45 : i32
      %parallel_loop3A_47 = arith.index_cast %parallel_loop3A_46 : i32 to index
      %parallel_loop3A_48 = tpu.vector_load %arg4[%parallel_loop3A_47] {strides = array<i32>} : memref<20000xi32, #tpu.memory_space<vmem>>, vector<16xi32>,
      tpu.vector_store_idx %arg5[%parallel_loop3A_48], %broadcast_in_dim3A_21 {add = true} : memref<10240xi32, #tpu.memory_space<vmem>>[vector<16xi32>], vector<16xi32>,
    } {sc.loop_unroll_factor = 10 : i64, sc.parallel_access}
    %mul3A_39 = arith.constant 16 : i32
    %mul3A_40 = arith.muli %arg0, %mul3A_39 : i32
    %add3A_41 = arith.addi %mul3A_40, %arg1 : i32
    %mul3A_42 = arith.constant 10240 : i32
    %mul3A_43 = arith.muli %add3A_41, %mul3A_42 : i32
    "tpu.region"() ({
      %run_scoped3A = tpu.sem_alloc : memref<!tpu.dma_semaphore, #tpu.memory_space<semaphore_mem>>
      %dma_start3A_44 = tpu.memref_slice %arg3[%mul3A_43] : memref<327680xi32, #tpu.memory_space<hbm>> -> memref<10240xi32, #tpu.memory_space<hbm>>
      %dma_start3A_45 = tpu.memref_slice %arg3[%mul3A_43] : memref<327680xi32, #tpu.memory_space<hbm>> -> memref<10240xi32, #tpu.memory_space<hbm>>
      tpu.enqueue_dma source(%arg5 : memref<10240xi32, #tpu.memory_space<vmem>>) target(%dma_start3A_45 : memref<10240xi32, #tpu.memory_space<hbm>>) target_semaphore(%run_scoped3A : memref<!tpu.dma_semaphore, #tpu.memory_space<semaphore_mem>>)
      %dma_wait3A_46 = tpu.memref_slice %arg3[%mul3A_43] : memref<327680xi32, #tpu.memory_space<hbm>> -> memref<10240xi32, #tpu.memory_space<hbm>>
      %dma_wait3A_47 = tpu.memref_slice %arg3[%mul3A_43] : memref<327680xi32, #tpu.memory_space<hbm>> -> memref<10240xi32, #tpu.memory_space<hbm>>
      tpu.wait_dma2 semaphore(%run_scoped3A : memref<!tpu.dma_semaphore, #tpu.memory_space<semaphore_mem>>) src(%arg5 : memref<10240xi32, #tpu.memory_space<vmem>>) dst(%dma_wait3A_47 : memref<10240xi32, #tpu.memory_space<hbm>>)
      tpu.yield
    }) : () -> ()
    return
  }
}

module attributes {stable_mosaic.version = 14 : i64} {
  func.func @_tc_encode_body(%arg0: i32, %arg1: memref<2x16x16x128xi32, #tpu.memory_space<vmem>>, %arg2: memref<2048x128xf32, #tpu.memory_space<vmem>>, %arg3: memref<256x128xf32, #tpu.memory_space<vmem>>, %arg4: memref<256x128xf32, #tpu.memory_space<vmem>>, %arg5: memref<2048x128xf32, #tpu.memory_space<vmem>>) attributes {dimension_semantics = [#tpu.dimension_semantics<arbitrary>], iteration_bounds = array<i64: 5>, scalar_prefetch = 0 : i64, scratch_operands = 0 : i64, tpu.core_type = #tpu.core_type<tc>, window_params = [{transform_indices = @transform_0, window_bounds = array<i64: 2, 16, 16, 128>}, {transform_indices = @transform_1, window_bounds = array<i64: 2048, 128>}, {pipeline_mode = #tpu.pipeline_mode<synchronous>, transform_indices = @transform_2, window_bounds = array<i64: 256, 128>}, {pipeline_mode = #tpu.pipeline_mode<synchronous>, transform_indices = @transform_3, window_bounds = array<i64: 256, 128>}, {transform_indices = @transform_4, window_bounds = array<i64: 2048, 128>}]} {
    %get3A = arith.constant 0 : index
    %get3A_0 = arith.constant 0 : index
    %get3A_1 = arith.constant 0 : index
    %get3A_2 = arith.constant 0 : index
    %get3A_3 = vector.load %arg1[%get3A, %get3A_0, %get3A_1, %get3A_2] : memref<2x16x16x128xi32, #tpu.memory_space<vmem>>, vector<2x16x16x128xi32>
    %slice3A = vector.extract_strided_slice %get3A_3 {offsets = [0, 0, 0, 0], sizes = [1, 16, 16, 128], strides = [1, 1, 1, 1]} : vector<2x16x16x128xi32> to vector<1x16x16x128xi32>
    %squeeze3A = vector.shape_cast %slice3A : vector<1x16x16x128xi32> to vector<16x16x128xi32>
    %slice3A_4 = vector.extract_strided_slice %squeeze3A {offsets = [0, 0, 0], sizes = [1, 16, 128], strides = [1, 1, 1]} : vector<16x16x128xi32> to vector<1x16x128xi32>
    %squeeze3A_5 = vector.shape_cast %slice3A_4 : vector<1x16x128xi32> to vector<16x128xi32>
    %slice3A_6 = vector.extract_strided_slice %squeeze3A {offsets = [1, 0, 0], sizes = [1, 16, 128], strides = [1, 1, 1]} : vector<16x16x128xi32> to vector<1x16x128xi32>
    %squeeze3A_7 = vector.shape_cast %slice3A_6 : vector<1x16x128xi32> to vector<16x128xi32>
    %slice3A_8 = vector.extract_strided_slice %squeeze3A {offsets = [2, 0, 0], sizes = [1, 16, 128], strides = [1, 1, 1]} : vector<16x16x128xi32> to vector<1x16x128xi32>
    %squeeze3A_9 = vector.shape_cast %slice3A_8 : vector<1x16x128xi32> to vector<16x128xi32>
    %slice3A_10 = vector.extract_strided_slice %squeeze3A {offsets = [3, 0, 0], sizes = [1, 16, 128], strides = [1, 1, 1]} : vector<16x16x128xi32> to vector<1x16x128xi32>
    %squeeze3A_11 = vector.shape_cast %slice3A_10 : vector<1x16x128xi32> to vector<16x128xi32>
    %slice3A_12 = vector.extract_strided_slice %squeeze3A {offsets = [4, 0, 0], sizes = [1, 16, 128], strides = [1, 1, 1]} : vector<16x16x128xi32> to vector<1x16x128xi32>
    %squeeze3A_13 = vector.shape_cast %slice3A_12 : vector<1x16x128xi32> to vector<16x128xi32>
    %slice3A_14 = vector.extract_strided_slice %squeeze3A {offsets = [5, 0, 0], sizes = [1, 16, 128], strides = [1, 1, 1]} : vector<16x16x128xi32> to vector<1x16x128xi32>
    %squeeze3A_15 = vector.shape_cast %slice3A_14 : vector<1x16x128xi32> to vector<16x128xi32>
    %slice3A_16 = vector.extract_strided_slice %squeeze3A {offsets = [6, 0, 0], sizes = [1, 16, 128], strides = [1, 1, 1]} : vector<16x16x128xi32> to vector<1x16x128xi32>
    %squeeze3A_17 = vector.shape_cast %slice3A_16 : vector<1x16x128xi32> to vector<16x128xi32>
    %slice3A_18 = vector.extract_strided_slice %squeeze3A {offsets = [7, 0, 0], sizes = [1, 16, 128], strides = [1, 1, 1]} : vector<16x16x128xi32> to vector<1x16x128xi32>
    %squeeze3A_19 = vector.shape_cast %slice3A_18 : vector<1x16x128xi32> to vector<16x128xi32>
    %slice3A_20 = vector.extract_strided_slice %squeeze3A {offsets = [8, 0, 0], sizes = [1, 16, 128], strides = [1, 1, 1]} : vector<16x16x128xi32> to vector<1x16x128xi32>
    %squeeze3A_21 = vector.shape_cast %slice3A_20 : vector<1x16x128xi32> to vector<16x128xi32>
    %slice3A_22 = vector.extract_strided_slice %squeeze3A {offsets = [9, 0, 0], sizes = [1, 16, 128], strides = [1, 1, 1]} : vector<16x16x128xi32> to vector<1x16x128xi32>
    %squeeze3A_23 = vector.shape_cast %slice3A_22 : vector<1x16x128xi32> to vector<16x128xi32>
    %slice3A_24 = vector.extract_strided_slice %squeeze3A {offsets = [10, 0, 0], sizes = [1, 16, 128], strides = [1, 1, 1]} : vector<16x16x128xi32> to vector<1x16x128xi32>
    %squeeze3A_25 = vector.shape_cast %slice3A_24 : vector<1x16x128xi32> to vector<16x128xi32>
    %slice3A_26 = vector.extract_strided_slice %squeeze3A {offsets = [11, 0, 0], sizes = [1, 16, 128], strides = [1, 1, 1]} : vector<16x16x128xi32> to vector<1x16x128xi32>
    %squeeze3A_27 = vector.shape_cast %slice3A_26 : vector<1x16x128xi32> to vector<16x128xi32>
    %slice3A_28 = vector.extract_strided_slice %squeeze3A {offsets = [12, 0, 0], sizes = [1, 16, 128], strides = [1, 1, 1]} : vector<16x16x128xi32> to vector<1x16x128xi32>
    %squeeze3A_29 = vector.shape_cast %slice3A_28 : vector<1x16x128xi32> to vector<16x128xi32>
    %slice3A_30 = vector.extract_strided_slice %squeeze3A {offsets = [13, 0, 0], sizes = [1, 16, 128], strides = [1, 1, 1]} : vector<16x16x128xi32> to vector<1x16x128xi32>
    %squeeze3A_31 = vector.shape_cast %slice3A_30 : vector<1x16x128xi32> to vector<16x128xi32>
    %slice3A_32 = vector.extract_strided_slice %squeeze3A {offsets = [14, 0, 0], sizes = [1, 16, 128], strides = [1, 1, 1]} : vector<16x16x128xi32> to vector<1x16x128xi32>
    %squeeze3A_33 = vector.shape_cast %slice3A_32 : vector<1x16x128xi32> to vector<16x128xi32>
    %slice3A_34 = vector.extract_strided_slice %squeeze3A {offsets = [15, 0, 0], sizes = [1, 16, 128], strides = [1, 1, 1]} : vector<16x16x128xi32> to vector<1x16x128xi32>
    %squeeze3A_35 = vector.shape_cast %slice3A_34 : vector<1x16x128xi32> to vector<16x128xi32>
    %add3A = arith.addi %squeeze3A_5, %squeeze3A_7 : vector<16x128xi32>
    %add3A_36 = arith.addi %squeeze3A_9, %squeeze3A_11 : vector<16x128xi32>
    %add3A_37 = arith.addi %squeeze3A_13, %squeeze3A_15 : vector<16x128xi32>
    %add3A_38 = arith.addi %squeeze3A_17, %squeeze3A_19 : vector<16x128xi32>
    %add3A_39 = arith.addi %squeeze3A_21, %squeeze3A_23 : vector<16x128xi32>
    %add3A_40 = arith.addi %squeeze3A_25, %squeeze3A_27 : vector<16x128xi32>
    %add3A_41 = arith.addi %squeeze3A_29, %squeeze3A_31 : vector<16x128xi32>
    %add3A_42 = arith.addi %squeeze3A_33, %squeeze3A_35 : vector<16x128xi32>
    %add3A_43 = arith.addi %add3A, %add3A_36 : vector<16x128xi32>
    %add3A_44 = arith.addi %add3A_37, %add3A_38 : vector<16x128xi32>
    %add3A_45 = arith.addi %add3A_39, %add3A_40 : vector<16x128xi32>
    %add3A_46 = arith.addi %add3A_41, %add3A_42 : vector<16x128xi32>
    %add3A_47 = arith.addi %add3A_43, %add3A_44 : vector<16x128xi32>
    %add3A_48 = arith.addi %add3A_45, %add3A_46 : vector<16x128xi32>
    %add3A_49 = arith.addi %add3A_47, %add3A_48 : vector<16x128xi32>
    %min3A = arith.constant 255 : i32
    %min3A_50 = vector.broadcast %min3A : i32 to vector<16x128xi32>
    %min3A_51 = arith.minsi %add3A_49, %min3A_50 : vector<16x128xi32>
    %reshape3A = vector.shape_cast %min3A_51 : vector<16x128xi32> to vector<2048xi32>
    %slice3A_52 = vector.extract_strided_slice %get3A_3 {offsets = [1, 0, 0, 0], sizes = [1, 16, 16, 128], strides = [1, 1, 1, 1]} : vector<2x16x16x128xi32> to vector<1x16x16x128xi32>
    %squeeze3A_53 = vector.shape_cast %slice3A_52 : vector<1x16x16x128xi32> to vector<16x16x128xi32>
    %slice3A_54 = vector.extract_strided_slice %squeeze3A_53 {offsets = [0, 0, 0], sizes = [1, 16, 128], strides = [1, 1, 1]} : vector<16x16x128xi32> to vector<1x16x128xi32>
    %squeeze3A_55 = vector.shape_cast %slice3A_54 : vector<1x16x128xi32> to vector<16x128xi32>
    %slice3A_56 = vector.extract_strided_slice %squeeze3A_53 {offsets = [1, 0, 0], sizes = [1, 16, 128], strides = [1, 1, 1]} : vector<16x16x128xi32> to vector<1x16x128xi32>
    %squeeze3A_57 = vector.shape_cast %slice3A_56 : vector<1x16x128xi32> to vector<16x128xi32>
    %slice3A_58 = vector.extract_strided_slice %squeeze3A_53 {offsets = [2, 0, 0], sizes = [1, 16, 128], strides = [1, 1, 1]} : vector<16x16x128xi32> to vector<1x16x128xi32>
    %squeeze3A_59 = vector.shape_cast %slice3A_58 : vector<1x16x128xi32> to vector<16x128xi32>
    %slice3A_60 = vector.extract_strided_slice %squeeze3A_53 {offsets = [3, 0, 0], sizes = [1, 16, 128], strides = [1, 1, 1]} : vector<16x16x128xi32> to vector<1x16x128xi32>
    %squeeze3A_61 = vector.shape_cast %slice3A_60 : vector<1x16x128xi32> to vector<16x128xi32>
    %slice3A_62 = vector.extract_strided_slice %squeeze3A_53 {offsets = [4, 0, 0], sizes = [1, 16, 128], strides = [1, 1, 1]} : vector<16x16x128xi32> to vector<1x16x128xi32>
    %squeeze3A_63 = vector.shape_cast %slice3A_62 : vector<1x16x128xi32> to vector<16x128xi32>
    %slice3A_64 = vector.extract_strided_slice %squeeze3A_53 {offsets = [5, 0, 0], sizes = [1, 16, 128], strides = [1, 1, 1]} : vector<16x16x128xi32> to vector<1x16x128xi32>
    %squeeze3A_65 = vector.shape_cast %slice3A_64 : vector<1x16x128xi32> to vector<16x128xi32>
    %slice3A_66 = vector.extract_strided_slice %squeeze3A_53 {offsets = [6, 0, 0], sizes = [1, 16, 128], strides = [1, 1, 1]} : vector<16x16x128xi32> to vector<1x16x128xi32>
    %squeeze3A_67 = vector.shape_cast %slice3A_66 : vector<1x16x128xi32> to vector<16x128xi32>
    %slice3A_68 = vector.extract_strided_slice %squeeze3A_53 {offsets = [7, 0, 0], sizes = [1, 16, 128], strides = [1, 1, 1]} : vector<16x16x128xi32> to vector<1x16x128xi32>
    %squeeze3A_69 = vector.shape_cast %slice3A_68 : vector<1x16x128xi32> to vector<16x128xi32>
    %slice3A_70 = vector.extract_strided_slice %squeeze3A_53 {offsets = [8, 0, 0], sizes = [1, 16, 128], strides = [1, 1, 1]} : vector<16x16x128xi32> to vector<1x16x128xi32>
    %squeeze3A_71 = vector.shape_cast %slice3A_70 : vector<1x16x128xi32> to vector<16x128xi32>
    %slice3A_72 = vector.extract_strided_slice %squeeze3A_53 {offsets = [9, 0, 0], sizes = [1, 16, 128], strides = [1, 1, 1]} : vector<16x16x128xi32> to vector<1x16x128xi32>
    %squeeze3A_73 = vector.shape_cast %slice3A_72 : vector<1x16x128xi32> to vector<16x128xi32>
    %slice3A_74 = vector.extract_strided_slice %squeeze3A_53 {offsets = [10, 0, 0], sizes = [1, 16, 128], strides = [1, 1, 1]} : vector<16x16x128xi32> to vector<1x16x128xi32>
    %squeeze3A_75 = vector.shape_cast %slice3A_74 : vector<1x16x128xi32> to vector<16x128xi32>
    %slice3A_76 = vector.extract_strided_slice %squeeze3A_53 {offsets = [11, 0, 0], sizes = [1, 16, 128], strides = [1, 1, 1]} : vector<16x16x128xi32> to vector<1x16x128xi32>
    %squeeze3A_77 = vector.shape_cast %slice3A_76 : vector<1x16x128xi32> to vector<16x128xi32>
    %slice3A_78 = vector.extract_strided_slice %squeeze3A_53 {offsets = [12, 0, 0], sizes = [1, 16, 128], strides = [1, 1, 1]} : vector<16x16x128xi32> to vector<1x16x128xi32>
    %squeeze3A_79 = vector.shape_cast %slice3A_78 : vector<1x16x128xi32> to vector<16x128xi32>
    %slice3A_80 = vector.extract_strided_slice %squeeze3A_53 {offsets = [13, 0, 0], sizes = [1, 16, 128], strides = [1, 1, 1]} : vector<16x16x128xi32> to vector<1x16x128xi32>
    %squeeze3A_81 = vector.shape_cast %slice3A_80 : vector<1x16x128xi32> to vector<16x128xi32>
    %slice3A_82 = vector.extract_strided_slice %squeeze3A_53 {offsets = [14, 0, 0], sizes = [1, 16, 128], strides = [1, 1, 1]} : vector<16x16x128xi32> to vector<1x16x128xi32>
    %squeeze3A_83 = vector.shape_cast %slice3A_82 : vector<1x16x128xi32> to vector<16x128xi32>
    %slice3A_84 = vector.extract_strided_slice %squeeze3A_53 {offsets = [15, 0, 0], sizes = [1, 16, 128], strides = [1, 1, 1]} : vector<16x16x128xi32> to vector<1x16x128xi32>
    %squeeze3A_85 = vector.shape_cast %slice3A_84 : vector<1x16x128xi32> to vector<16x128xi32>
    %add3A_86 = arith.addi %squeeze3A_55, %squeeze3A_57 : vector<16x128xi32>
    %add3A_87 = arith.addi %squeeze3A_59, %squeeze3A_61 : vector<16x128xi32>
    %add3A_88 = arith.addi %squeeze3A_63, %squeeze3A_65 : vector<16x128xi32>
    %add3A_89 = arith.addi %squeeze3A_67, %squeeze3A_69 : vector<16x128xi32>
    %add3A_90 = arith.addi %squeeze3A_71, %squeeze3A_73 : vector<16x128xi32>
    %add3A_91 = arith.addi %squeeze3A_75, %squeeze3A_77 : vector<16x128xi32>
    %add3A_92 = arith.addi %squeeze3A_79, %squeeze3A_81 : vector<16x128xi32>
    %add3A_93 = arith.addi %squeeze3A_83, %squeeze3A_85 : vector<16x128xi32>
    %add3A_94 = arith.addi %add3A_86, %add3A_87 : vector<16x128xi32>
    %add3A_95 = arith.addi %add3A_88, %add3A_89 : vector<16x128xi32>
    %add3A_96 = arith.addi %add3A_90, %add3A_91 : vector<16x128xi32>
    %add3A_97 = arith.addi %add3A_92, %add3A_93 : vector<16x128xi32>
    %add3A_98 = arith.addi %add3A_94, %add3A_95 : vector<16x128xi32>
    %add3A_99 = arith.addi %add3A_96, %add3A_97 : vector<16x128xi32>
    %add3A_100 = arith.addi %add3A_98, %add3A_99 : vector<16x128xi32>
    %min3A_101 = arith.constant 255 : i32
    %min3A_102 = vector.broadcast %min3A_101 : i32 to vector<16x128xi32>
    %min3A_103 = arith.minsi %add3A_100, %min3A_102 : vector<16x128xi32>
    %reshape3A_104 = vector.shape_cast %min3A_103 : vector<16x128xi32> to vector<2048xi32>
    %iota3A = tpu.iota {dimensions = array<i32: 0>} : vector<256x2048xi32>
    %broadcast_in_dim3A = vector.shape_cast %reshape3A : vector<2048xi32> to vector<1x2048xi32>
    %eq3A = vector.broadcast %broadcast_in_dim3A : vector<1x2048xi32> to vector<256x2048xi32>
    %eq3A_105 = arith.cmpi eq, %eq3A, %iota3A : vector<256x2048xi32>
    %convert_element_type3A = arith.extui %eq3A_105 : vector<256x2048xi1> to vector<256x2048xi32>
    %convert_element_type3A_106 = arith.sitofp %convert_element_type3A : vector<256x2048xi32> to vector<256x2048xf32>
    %broadcast_in_dim3A_107 = vector.shape_cast %reshape3A_104 : vector<2048xi32> to vector<1x2048xi32>
    %eq3A_108 = vector.broadcast %broadcast_in_dim3A_107 : vector<1x2048xi32> to vector<256x2048xi32>
    %eq3A_109 = arith.cmpi eq, %eq3A_108, %iota3A : vector<256x2048xi32>
    %convert_element_type3A_110 = arith.extui %eq3A_109 : vector<256x2048xi1> to vector<256x2048xi32>
    %convert_element_type3A_111 = arith.sitofp %convert_element_type3A_110 : vector<256x2048xi32> to vector<256x2048xf32>
    %get3A_112 = arith.constant 0 : index
    %get3A_113 = arith.constant 0 : index
    %get3A_114 = vector.load %arg3[%get3A_112, %get3A_113] : memref<256x128xf32, #tpu.memory_space<vmem>>, vector<256x128xf32>
    %dot_general3A = arith.constant dense<0.000000e+00> : vector<2048x128xf32>
    %dot_general3A_115 = tpu.matmul %convert_element_type3A_106, %get3A_114, %dot_general3A {dimension_numbers = #tpu.dot_dimension_numbers<[0], [0], [1], [1], [0, 1, 1, 1], [], []>, transpose_lhs_hint = false} : vector<256x2048xf32>, vector<256x128xf32>, vector<2048x128xf32> -> vector<2048x128xf32>
    %get3A_116 = arith.constant 0 : index
    %get3A_117 = arith.constant 0 : index
    %get3A_118 = vector.load %arg4[%get3A_116, %get3A_117] : memref<256x128xf32, #tpu.memory_space<vmem>>, vector<256x128xf32>
    %dot_general3A_119 = arith.constant dense<0.000000e+00> : vector<2048x128xf32>
    %dot_general3A_120 = tpu.matmul %convert_element_type3A_111, %get3A_118, %dot_general3A_119 {dimension_numbers = #tpu.dot_dimension_numbers<[0], [0], [1], [1], [0, 1, 1, 1], [], []>, transpose_lhs_hint = false} : vector<256x2048xf32>, vector<256x128xf32>, vector<2048x128xf32> -> vector<2048x128xf32>
    %add3A_121 = arith.addf %dot_general3A_115, %dot_general3A_120 : vector<2048x128xf32>
    %get3A_122 = arith.constant 0 : index
    %get3A_123 = arith.constant 0 : index
    %get3A_124 = vector.load %arg2[%get3A_122, %get3A_123] : memref<2048x128xf32, #tpu.memory_space<vmem>>, vector<2048x128xf32>
    %add3A_125 = arith.addf %get3A_124, %add3A_121 : vector<2048x128xf32>
    %swap3A = arith.constant 0 : index
    %swap3A_126 = arith.constant 0 : index
    %swap3A_127 = vector.load %arg5[%swap3A, %swap3A_126] : memref<2048x128xf32, #tpu.memory_space<vmem>>, vector<2048x128xf32>
    tpu.vector_store %arg5[%swap3A, %swap3A_126], %add3A_125 {strides = array<i32>} : memref<2048x128xf32, #tpu.memory_space<vmem>>, vector<2048x128xf32>,
    return
  }
  func.func @transform_0(%arg0: i32) -> (i32, i32, i32, i32) {
    %c0_i32 = arith.constant 0 : i32
    %c0_i32_0 = arith.constant 0 : i32
    %c0_i32_1 = arith.constant 0 : i32
    %c0_i32_2 = arith.constant 0 : i32
    return %c0_i32, %c0_i32_0, %arg0, %c0_i32_1 : i32, i32, i32, i32
  }
  func.func @transform_1(%arg0: i32) -> (i32, i32) {
    %c0_i32 = arith.constant 0 : i32
    %c0_i32_0 = arith.constant 0 : i32
    return %arg0, %c0_i32 : i32, i32
  }
  func.func @transform_2(%arg0: i32) -> (i32, i32) {
    %c0_i32 = arith.constant 0 : i32
    %c0_i32_0 = arith.constant 0 : i32
    %c0_i32_1 = arith.constant 0 : i32
    return %c0_i32, %c0_i32_0 : i32, i32
  }
  func.func @transform_3(%arg0: i32) -> (i32, i32) {
    %c0_i32 = arith.constant 0 : i32
    %c0_i32_0 = arith.constant 0 : i32
    %c0_i32_1 = arith.constant 0 : i32
    return %c0_i32, %c0_i32_0 : i32, i32
  }
  func.func @transform_4(%arg0: i32) -> (i32, i32) {
    %c0_i32 = arith.constant 0 : i32
    %c0_i32_0 = arith.constant 0 : i32
    return %arg0, %c0_i32 : i32, i32
  }
}

</mosaic_0001>

<sc_bundles>
// kernel: kernel.4.cloned.1.call-start
scs
__scs_entry_jumppad:
0x0: {  	(pc) =	sbr.rel $0x88, $3  }
0x1: {  	(tag) =	ssettag $0x0;
	lr =	simm.s32 $0x1  }
0x2: {  	[smem:$0x3F9D] =	sst lr;
	_ =	strace $0xD0000000  }
0x3: {  	_ = 	snop  }
0x4: {  	_ = 	snop  }
0x5: {  	_ = 	snop  }
0x6: {  	_ = 	snop  }
0x7: {  	_ = 	snop  }
__scs_overlays_trampoline_lowered:
0x8: {  	[smem:$0x3FAC] =	sst s0  }
0x9: {  	[smem:$0x3FAD] =	sst s1  }
0xa: {  	[smem:$0x3FAE] =	sst s2  }
0xb: {  	[smem:$0x3FAF] =	sst s3  }
0xc: {  	[smem:$0x3FB0] =	sst s4  }
0xd: {  	[smem:$0x3FB1] =	sst s5  }
0xe: {  	[smem:$0x3FB2] =	sst s6  }
0xf: {  	[smem:$0x3FB3] =	sst s7  }
0x10: {  	[smem:$0x3FB4] =	sst s8  }
0x11: {  	[smem:$0x3FB5] =	sst s9;
	s0 =	simm.s32 @!p0 $0x0  }
0x12: {  	s1 =	sld [smem:$0x3F9B];
	s0 =	simm.s32 @p0 $0x1  }
0x13: {  	[smem:$0x3FB6] =	sst s0;
	s0 =	simm.s32 @!p1 $0x0  }
0x14: {  	s2 =	sld [smem:$0x3F9A];
	s0 =	simm.s32 @p1 $0x1  }
0x15: {  	[smem:$0x3FB7] =	sst s0;
	s0 =	simm.s32 @!p2 $0x0  }
0x16: {  	s3 =	sld [smem:$0x3FDB];
	s0 =	simm.s32 @p2 $0x1  }
0x17: {  	s4 =	simm.s32 $0x1BF5;
	[smem:$0x3FB9] =	sst s0  }
0x18: {  	s0 =	sld [smem:$0x3F9C];
	_ =	swait.ge [sflag:s4], $0x0  }
0x19: {  	s7 =	sld [smem:$0x3F9D]  }
0x1a: {  	s8 =	sadd.s32 $0xFFFFE003, lr  }
0x1b: {  	s9 =	sadd.s32 $0xFFFFFEF7, lr;
	s5 =	simm.s32 $0xFFFFFFFF;
	p2 =	slt.u32 s8, $0xFFFFF086  }
0x1c: {  	p1 =	slt.u32 s9, $0xF7A;
	s5 =	simm.s32 @!p2 $0x0  }
0x1d: {  	s5 =	simm.s32 @p1 $0x1;
	p0 =	seq.s32 s7, s2  }
0x1e: {  	s7 =	smul.u32 @!p0 $0xF7A, s2;
	p2 =	seq.s32 @!p0 s5, $0x0  }
0x1f: {  	s9 =	smul.u32 $0xF7A, s1;
	s8 =	simm.s32 @!p0 $0x1BF5;
	p2 =	por !p2, p0  }
0x20: {  	[sflag:s8] =	ssyncset.s32 @!p0 $0xFFFFF086;
	s6 =	sadd.s32 @!p0 s3, s7;
	s7 =	simm.s32 @!p0 $0x108  }
0x21: {  	s3 =	sadd.s32 s3, s9;
	s6 =	sadd.s32 @!p0 $0x88, s6;
	s7 =	simm.s32 @p2 $0x1082  }
0x22: {  	[simem:s7], [sflag:s8] =	dma.local @!p0 [hbm:s6], $0xF7A  }
0x23: {  	s9 =	sor.u32 $0xD0000000, s2;
	s6 =	simm.s32 $0x108;
	_ =	swait.ge @!p0 [sflag:s8], $0x0  }
0x24: {  	s3 =	sadd.s32 $0x88, s3;
	s6 =	simm.s32 @!p1 $0x1082;
	[sflag:s4] =	ssyncset.s32 $0xFFFFF086  }
0x25: {  	[simem:s6], [sflag:s4] =	dma.local [hbm:s3], $0xF7A  }
0x26: {  	[smem:$0x3F9D] =	sst s1;
	(tag) =	ssettag s2;
	_ =	strace s9  }
0x27: {  	s1 =	sld [smem:$0x3FAD]  }
0x28: {  	s2 =	sld [smem:$0x3FAE]  }
0x29: {  	s4 =	sld [smem:$0x3FB0]  }
0x2a: {  	p0 =	seq.s32 s5, $0x0;
	s5 =	sld [smem:$0x3FB1]  }
0x2b: {  	s6 =	sld [smem:$0x3FB2]  }
0x2c: {  	s7 =	sld [smem:$0x3FB3]  }
0x2d: {  	s3 =	simm.s32 $0x108;
	s8 =	sld [smem:$0x3FB4]  }
0x2e: {  	s3 =	simm.s32 @!p0 $0x1082;
	s9 =	sld [smem:$0x3FB5]  }
0x2f: {  	lr =	sadd.s32 s0, s3;
	s0 =	sld [smem:$0x3FAC]  }
0x30: {  	s3 =	sld [smem:$0x3FAF]  }
0x31: {  	[smem:$0x3FB8] =	sst s10  }
0x32: {  	s10 =	sld [smem:$0x3FB6];
	_ =	sdelay $0x3  }
0x33: {  	p0 =	seq.s32 s10, $0x1;
	s10 =	sld [smem:$0x3FB8];
	_ =	sdelay $0x3  }
0x34: {  	[smem:$0x3FB8] =	sst s10  }
0x35: {  	s10 =	sld [smem:$0x3FB7];
	_ =	sdelay $0x3  }
0x36: {  	p1 =	seq.s32 s10, $0x1;
	s10 =	sld [smem:$0x3FB8];
	_ =	sdelay $0x3  }
0x37: {  	[smem:$0x3FB8] =	sst s10  }
0x38: {  	s10 =	sld [smem:$0x3FB9]  }
0x39: {  	_ = 	snop;
	(pc) =	sbr.ind lr, $3  }
0x3a: {  	_ = 	snop  }
0x3b: {  	_ = 	snop  }
0x3c: {  	p2 =	seq.s32 s10, $0x1;
	s10 =	sld [smem:$0x3FB8]  }
0x3d: {  	_ =	shalt  }
0x3e: {  	_ =	shalt  }
0x3f: {  	_ =	shalt  }
0x40: {  	_ =	shalt  }
0x41: {  	_ =	shalt  }
0x42: {  	_ =	shalt  }
0x43: {  	_ =	shalt  }
0x44: {  	_ =	shalt  }
0x45: {  	_ =	shalt  }
0x46: {  	_ =	shalt  }
0x47: {  	_ =	shalt  }
0x48: {  	_ =	shalt  }
0x49: {  	_ =	shalt  }
0x4a: {  	_ =	shalt  }
0x4b: {  	_ =	shalt  }
0x4c: {  	_ =	shalt  }
0x4d: {  	_ =	shalt  }
0x4e: {  	_ =	shalt  }
0x4f: {  	_ =	shalt  }
0x50: {  	_ =	shalt  }
0x51: {  	_ =	shalt  }
0x52: {  	_ =	shalt  }
0x53: {  	_ =	shalt  }
0x54: {  	_ =	shalt  }
0x55: {  	_ =	shalt  }
0x56: {  	_ =	shalt  }
0x57: {  	_ =	shalt  }
0x58: {  	_ =	shalt  }
0x59: {  	_ =	shalt  }
0x5a: {  	_ =	shalt  }
0x5b: {  	_ =	shalt  }
0x5c: {  	_ =	shalt  }
0x5d: {  	_ =	shalt  }
0x5e: {  	_ =	shalt  }
0x5f: {  	_ =	shalt  }
0x60: {  	_ =	shalt  }
0x61: {  	_ =	shalt  }
0x62: {  	_ =	shalt  }
0x63: {  	_ =	shalt  }
0x64: {  	_ =	shalt  }
0x65: {  	_ =	shalt  }
0x66: {  	_ =	shalt  }
0x67: {  	_ =	shalt  }
0x68: {  	_ =	shalt  }
0x69: {  	_ =	shalt  }
0x6a: {  	_ =	shalt  }
0x6b: {  	_ =	shalt  }
0x6c: {  	_ =	shalt  }
0x6d: {  	_ =	shalt  }
0x6e: {  	_ =	shalt  }
0x6f: {  	_ =	shalt  }
0x70: {  	_ =	shalt  }
0x71: {  	_ =	shalt  }
0x72: {  	_ =	shalt  }
0x73: {  	_ =	shalt  }
0x74: {  	_ =	shalt  }
0x75: {  	_ =	shalt  }
0x76: {  	_ =	shalt  }
0x77: {  	_ =	shalt  }
0x78: {  	_ =	shalt  }
0x79: {  	_ =	shalt  }
0x7a: {  	_ =	shalt  }
0x7b: {  	_ =	shalt  }
0x7c: {  	_ =	shalt  }
0x7d: {  	_ =	shalt  }
0x7e: {  	_ =	shalt  }
0x7f: {  	_ =	shalt  }
0x80: {  	_ =	shalt  }
0x81: {  	_ =	shalt  }
0x82: {  	_ =	shalt  }
0x83: {  	_ =	shalt  }
0x84: {  	_ =	shalt  }
0x85: {  	_ =	shalt  }
0x86: {  	_ =	shalt  }
0x87: {  	_ =	shalt  }
.Lfunc_end0:
.L_simem_size_0:
called_computation_lowered:
.L_overlay_start_0:
0x88: {  	s2 =	sld [smem:$0x3FD9]  }
0x89: {  	s3 =	sld [smem:$0x3FFE];
	_ =	sdelay $0x1  }
0x8a: {  	s1 =	srdreg.scid  }
0x8b: {  	s0 =	sand.u32 $0x1, s1  }
0x8c: {  	s17 =	sshll.u32 s0, $0xA;
	s2 =	sadd.s32 s3, s2  }
0x8d: {  	s2 =	sadd.s32 s2, s17  }
0x8e: {  	[smem:$0x3FC4] =	sst s2  }
0x8f: {  	_ = 	snop  }
0x90: {  	s2 =	sld [smem:$0x3FD0];
	(tm) =	ssettm $0x1  }
0x91: {  	s18 =	sld [smem:$0x3FFB];
	_ =	sdelay $0x3  }
0x92: {  	_ =	strace s18  }
0x93: {  	s3 =	sld [smem:$0x3FFC];
	_ =	sdelay $0x3  }
0x94: {  	_ =	strace s3  }
0x95: {  	s3 =	sld [smem:$0x3FFD];
	_ =	sdelay $0x3  }
0x96: {  	_ =	strace s3  }
0x97: {  	_ =	strace $0x8FFFFFFF  }
0x98: {  	s19 =	sld [smem:$0x3FDB];
	_ =	sdelay $0x1  }
0x99: {  	s4 =	simm.s32 $_scs_section_size  }
0x9a: {  	s5 =	simm.s32 $_size__tile_overlayer_lowered;
	s6 =	simm.s32 $_tile_overlayer_lowered  }
0x9b: {  	s22 =	simm.s32 $0x1BFF;
	s21 =	sshll.u32 s6, $0x1;
	s3 =	sadd.s32 s4, s19  }
0x9c: {  	s7 =	simm.s32 $0x0;
	s20 =	sshll.u32 s5, $0x1;
	s5 =	sadd.s32 s21, s3  }
0x9d: {  	[timem:s7], [sflag:s22] =	dma.local [hbm:s5], s20  }
0x9e: {  	_ =	swait.ge [sflag:s22], s20  }
0x9f: {  	s4 =	ssub.s32 $0x0, s20;
	[sflag:s22] =	ssyncset.done $0x0  }
0xa0: {  	[sflag:s22] =	ssyncadd.s32 s4;
	_ =	sdelay $0x1  }
0xa1: {  	s23 =	simm.s32 $0x1B8B  }
0xa2: {  	_ =	swait.ge [sflag:s23], $0x1  }
0xa3: {  	[sflag:s23] =	ssyncset.done $0x0  }
0xa4: {  	s25 =	simm.s32 $0x1B8E;
	s24 =	sld [smem:$0x3FFE];
	[sflag:s23] =	ssyncadd.s32 $0xFFFFFFFF  }
0xa5: {  	s26 =	simm.s32 $execute0_lowered;
	[smem:$0x3FD2] =	sst s25  }
0xa6: {  	s5 =	sshll.u32 s26, $0x1;
	_ =	strace $0x80000046;
	[dreg:$0x1] =	wrdreg $0xFFFFFFFF  }
0xa7: {  	s28 =	simm.s32 $_size_execute0_lowered;
	s3 =	sadd.s32 s3, s5;
	[dreg:$0x0] =	wrdreg $0x0  }
0xa8: {  	s5 =	sshll.u32 s28, $0x1;
	[dreg:$0x2] =	wrdreg s3  }
0xa9: {  	[dreg:$0x3] =	wrdreg s5  }
0xaa: {  	[dreg:$0x4] =	wrdreg $0xC0  }
0xab: {  	_ =	task [dreg:s7], $0x5FFFF  }
0xac: {  	[dreg:$0x1] =	wrdreg $0xFFFFFFFF  }
0xad: {  	[dreg:$0x0] =	wrdreg $0x60  }
0xae: {  	[dreg:$0x2] =	wrdreg s2  }
0xaf: {  	[dreg:$0x3] =	wrdreg s24  }
0xb0: {  	[dreg:$0x4] =	wrdreg $0x9  }
0xb1: {  	_ =	task.clear_ibuf [dreg:s7], $0x5FFFF;
	_ =	strace $0x90000046  }
0xb2: {  	s29 =	simm.s32 $0x9;
	_ =	strace $0x80000048  }
0xb3: {  	_ =	swait.ge [sflag:s29], $0x1  }
0xb4: {  	[sflag:s29] =	ssyncadd.s32 $0xFFFFFFFF  }
0xb5: {  	_ =	strace $0x90000048  }
0xb6: {  	_ =	sfence  }
0xb7: {  	s30 =	sld [smem:$0x0];
	_ =	sdelay $0x2  }
0xb8: {  	s31 =	sshll.u32 s1, $0xD;
	s1 =	sshrl.u32 s1, $0x2  }
0xb9: {  	s3 =	sand.u32 $0x4000, s31;
	s1 =	sadd.s32 s1, s30  }
0xba: {  	s0 =	sor.u32 s3, s0;
	s1 =	sshll.u32 s1, $0x11  }
0xbb: {  	s0 =	sor.u32 s1, s0  }
0xbc: {  	s0 =	sadd.s32 $0x8F2B, s0  }
0xbd: {  	[sflag:s0] =	ssyncadd.remote.s32 $0x1  }
0xbe: {  	_ =	sfence.sel $0xFFFF  }
0xbf: {  	[dreg:$0x0] =	wrdreg $0xFFFFFFFF;
	(pc) =	sbr.abs _section_cstart, $3  }
0xc0: {  	[dreg:$0x1] =	wrdreg $0xFFFFFFFF  }
0xc1: {  	_ =	task.clear_ibuf [dreg:s7], $0x2FFFF;
	_ =	strace $0x9FFFFFFF  }
0xc2: {  	(tm) =	ssettm $0x7FFFFFFF  }
0xc3: {  	_ =	shalt  }
tec
execute0_lowered:
.L_overlay_start_1:
0x0: {  	(tag) =	ssettag $0x1  }
0x1: {  	s3 =	rddreg [dreg:$0x0];
	s0 =	srdreg.scid  }
0x2: {  	s4 =	rddreg [dreg:$0x1];
	s1 =	stileid.u32  }
0x3: {  	s9 =	simm.s32 $0x4E80;
	s10 =	simm.s32 $0x2;
	s11 =	simm.s32 $0x3  }
0x4: {  	s12 =	simm.s32 $0x0;
	s5 =	sand.u32 $0x1, s0;
	s0 =	rddreg [dreg:$0x2]  }
0x5: {  	s8 =	smul.u32 $0x4E20, s1;
	s2 =	sxor.u32 $0x1, s5;
	s7 =	sshll.u32 s5, $0x4  }
0x6: {  	s6 =	smul.u32 $0x4E200, s2;
	s2 =	simm.s32 $0x0;
	s7 =	sor.u32 s1, s7  }
0x7: {  	s5 =	ssub.s32 $0x2, s5;
	[smem:$0x7FF] =	sst s2;
	s7 =	smul.u32 $0x500, s7  }
0x8: {  	s31 =	sshrl.u32 s5, $0x1;
	s6 =	sadd.s32 s8, s6;
	_ =	strace $0x80000047  }
0x9: {  	s8 =	ssub.s32 s5, s31;
	s6 =	sshrl.u32 s6, $0x3;
	s7 =	sadd.s32 s7, s4  }
0xa: {  	s3 =	sadd.s32 s3, s6;
	s5 =	sadd.s32 $0x1200, s7;
	s6 =	smax.u32 s8, $0x1  }
0xb: {  	v0 =	vimm.s32 $0x0;
	v1 =	vimm.s32 $0x1;
	s7 =	simm.s32 $0x2710;
	s8 =	simm.s32 $0x1;
	s4 =	sadd.s32 $0x4E2, s3  }
.LBB2_1:
0xc: {  	[tilespmem:s2], [sflag:$0x1] =	stream.linear.gather [hbm4b:s3+s2], $0x2710, $0x38;
	[tilespmem:$0x7680] =	vst v63  }
0xd: {  	s13 =	simm.s32 $0x4EC0  }
0xe: {  	[tilespmem:s7], [sflag:$0x2] =	stream.linear.gather [hbm4b:s4+s2], $0x2710, $0x38;
	[tilespmem:$0x7680] =	vst v63  }
0xf: {  	[tilespmem:s13+$0xFFFFFFC0] =	vst v0  }
0x10: {  	[tilespmem:s13+$0x30] =	vst v0  }
0x11: {  	[tilespmem:s13+$0x20] =	vst v0  }
0x12: {  	[tilespmem:s13+$0x10] =	vst v0  }
0x13: {  	[tilespmem:s13+$0x0] =	vst v0  }
0x14: {  	[tilespmem:s13+$0xFFFFFFF0] =	vst v0  }
0x15: {  	s14 =	simm.s32 $0x0;
	[tilespmem:s13+$0xFFFFFFE0] =	vst v0  }
.LBB2_2:
0x16: {  	s14 =	sadd.s32 $0x8, s14;
	[tilespmem:s13+$0xFFFFFFD0] =	vst v0;
	s13 =	sadd.s32 $0x80, s13  }
0x17: {  	[tilespmem:s13+$0xFFFFFFC0] =	vst v0;
	p0 =	slt.u32 s14, $0x278  }
0x18: {  	[tilespmem:s13+$0x30] =	vst v0  }
.Ltmp0:
0x19: {  	[tilespmem:s13+$0x20] =	vst v0;
	(pc) =	sbr.rel @p0 .LBB2_2-.Ltmp0, $4  }
0x1a: {  	[tilespmem:s13+$0x10] =	vst v0  }
0x1b: {  	[tilespmem:s13+$0x0] =	vst v0  }
0x1c: {  	[tilespmem:s13+$0xFFFFFFF0] =	vst v0  }
0x1d: {  	[tilespmem:s13+$0xFFFFFFE0] =	vst v0  }
0x1e: {  	[tilespmem:s13+$0xFFFFFFD0] =	vst v0  }
0x1f: {  	_ =	swait.ge [sflag:s8], $0x2710  }
0x20: {  	s13 =	simm.s32 $0x0;
	[sflag:s8] =	ssyncset.done $0x0  }
0x21: {  	s15 =	sand.u32 $0x3FE0, s13;
	[sflag:s8] =	ssyncadd.s32 $0xFFFFD8F0  }
0x22: {  	s14 =	simm.s32 $0x50;
	v2 =	vld [tilespmem:s15+$0x80]  }
0x23: {  	v3 =	vld [tilespmem:s14+$0xFFFFFFD0]  }
0x24: {  	v4 =	vld [tilespmem:s14+$0xFFFFFFB0]  }
0x25: {  	v5 =	vld [tilespmem:s14+$0x40]  }
0x26: {  	v6 =	vld [tilespmem:s14+$0x20]  }
0x27: {  	v7 =	vld [tilespmem:s14+$0x10]  }
0x28: {  	v8 =	vld [tilespmem:s14+$0x0]  }
0x29: {  	v9 =	vld [tilespmem:s14+$0xFFFFFFF0]  }
0x2a: {  	v10 =	vld [tilespmem:s14+$0xFFFFFFE0]  }
0x2b: {  	[tilespmem:v2+s9+$0x0] =	vst.idx.add.s32.msk $0xffff, v1  }
0x2c: {  	[tilespmem:v4+s9+$0x0] =	vst.idx.add.s32.msk $0xffff, v1  }
0x2d: {  	v2 =	vld [tilespmem:s14+$0xFFFFFFC0]  }
0x2e: {  	[tilespmem:v6+s9+$0x0] =	vst.idx.add.s32.msk $0xffff, v1  }
0x2f: {  	[tilespmem:v7+s9+$0x0] =	vst.idx.add.s32.msk $0xffff, v1  }
0x30: {  	[tilespmem:v8+s9+$0x0] =	vst.idx.add.s32.msk $0xffff, v1  }
0x31: {  	[tilespmem:v9+s9+$0x0] =	vst.idx.add.s32.msk $0xffff, v1  }
0x32: {  	[tilespmem:v5+s9+$0x0] =	vst.idx.add.s32.msk $0xffff, v1  }
0x33: {  	[tilespmem:v10+s9+$0x0] =	vst.idx.add.s32.msk $0xffff, v1  }
0x34: {  	s16 =	simm.s32 $0xA0;
	s15 =	simm.s32 $0x0;
	[tilespmem:v3+s9+$0x0] =	vst.idx.add.s32.msk $0xffff, v1  }
.LBB2_4:
0x35: {  	s17 =	sand.u32 $0x3FE0, s16;
	s15 =	sadd.s32 $0xA, s15;
	[tilespmem:v2+s9+$0x0] =	vst.idx.add.s32.msk $0xffff, v1;
	s14 =	sadd.s32 $0xA0, s14  }
0x36: {  	v2 =	vld [tilespmem:s17+$0x80];
	p0 =	slt.u32 s15, $0x262  }
0x37: {  	v3 =	vld [tilespmem:s14+$0xFFFFFFD0]  }
0x38: {  	v4 =	vld [tilespmem:s14+$0xFFFFFFB0]  }
0x39: {  	v5 =	vld [tilespmem:s14+$0x40]  }
0x3a: {  	v6 =	vld [tilespmem:s14+$0x20]  }
0x3b: {  	v7 =	vld [tilespmem:s14+$0x10]  }
0x3c: {  	v8 =	vld [tilespmem:s14+$0x0]  }
0x3d: {  	v9 =	vld [tilespmem:s14+$0xFFFFFFF0]  }
0x3e: {  	[tilespmem:v2+s9+$0x0] =	vst.idx.add.s32.msk $0xffff, v1  }
0x3f: {  	v10 =	vld [tilespmem:s14+$0xFFFFFFE0]  }
0x40: {  	[tilespmem:v4+s9+$0x0] =	vst.idx.add.s32.msk $0xffff, v1  }
0x41: {  	v2 =	vld [tilespmem:s14+$0xFFFFFFC0]  }
0x42: {  	[tilespmem:v6+s9+$0x0] =	vst.idx.add.s32.msk $0xffff, v1  }
0x43: {  	[tilespmem:v7+s9+$0x0] =	vst.idx.add.s32.msk $0xffff, v1  }
.Ltmp1:
0x44: {  	[tilespmem:v8+s9+$0x0] =	vst.idx.add.s32.msk $0xffff, v1;
	(pc) =	sbr.rel @p0 .LBB2_4-.Ltmp1, $4  }
0x45: {  	[tilespmem:v9+s9+$0x0] =	vst.idx.add.s32.msk $0xffff, v1  }
0x46: {  	[tilespmem:v5+s9+$0x0] =	vst.idx.add.s32.msk $0xffff, v1  }
0x47: {  	[tilespmem:v10+s9+$0x0] =	vst.idx.add.s32.msk $0xffff, v1  }
0x48: {  	s16 =	sadd.s32 $0xA0, s16;
	[tilespmem:v3+s9+$0x0] =	vst.idx.add.s32.msk $0xffff, v1  }
0x49: {  	_ =	sdelay $0x3  }
0x4a: {  	[tilespmem:v2+s9+$0x0] =	vst.idx.add.s32.msk $0xffff, v1  }
.LBB2_6:
0x4b: {  	s14 =	sshra.s32 s13, $0x2  }
0x4c: {  	v2 =	vld [tilespmem:s14+$0x26C0];
	_ =	sdelay $0x2  }
0x4d: {  	p0 =	sne.s32 s13, $0x100  }
.Ltmp2:
0x4e: {  	_ = 	snop;
	(pc) =	sbr.rel @p0 .LBB2_6-.Ltmp2, $2  }
0x4f: {  	_ =	sdelay $0x2  }
0x50: {  	s13 =	sadd.s32 $0x40, s13;
	[tilespmem:v2+s9+$0x0] =	vst.idx.add.s32.msk $0xffff, v1  }
0x51: {  	_ =	swait.ge [sflag:s10], $0x2710  }
0x52: {  	s13 =	simm.s32 $0x2710;
	[sflag:s10] =	ssyncset.done $0x0  }
0x53: {  	s14 =	sand.u32 $0x7FF0, s13;
	[sflag:s10] =	ssyncadd.s32 $0xFFFFD8F0  }
0x54: {  	v2 =	vld [tilespmem:s14+$0x80]  }
0x55: {  	v3 =	vld [tilespmem:s13+$0x20]  }
0x56: {  	v4 =	vld [tilespmem:s13+$0x0]  }
0x57: {  	v5 =	vld [tilespmem:s13+$0x90]  }
0x58: {  	v6 =	vld [tilespmem:s13+$0x70]  }
0x59: {  	v7 =	vld [tilespmem:s13+$0x60]  }
0x5a: {  	v8 =	vld [tilespmem:s13+$0x50]  }
0x5b: {  	v9 =	vld [tilespmem:s13+$0x40]  }
0x5c: {  	v10 =	vld [tilespmem:s13+$0x30]  }
0x5d: {  	[tilespmem:v2+s9+$0x0] =	vst.idx.add.s32.msk $0xffff, v1  }
0x5e: {  	[tilespmem:v4+s9+$0x0] =	vst.idx.add.s32.msk $0xffff, v1  }
0x5f: {  	v2 =	vld [tilespmem:s13+$0x10]  }
0x60: {  	[tilespmem:v6+s9+$0x0] =	vst.idx.add.s32.msk $0xffff, v1  }
0x61: {  	[tilespmem:v7+s9+$0x0] =	vst.idx.add.s32.msk $0xffff, v1  }
0x62: {  	[tilespmem:v8+s9+$0x0] =	vst.idx.add.s32.msk $0xffff, v1  }
0x63: {  	[tilespmem:v9+s9+$0x0] =	vst.idx.add.s32.msk $0xffff, v1  }
0x64: {  	[tilespmem:v5+s9+$0x0] =	vst.idx.add.s32.msk $0xffff, v1  }
0x65: {  	[tilespmem:v10+s9+$0x0] =	vst.idx.add.s32.msk $0xffff, v1  }
0x66: {  	s15 =	simm.s32 $0x27B0;
	s14 =	simm.s32 $0x271;
	[tilespmem:v3+s9+$0x0] =	vst.idx.add.s32.msk $0xffff, v1  }
.LBB2_8:
0x67: {  	s16 =	sand.u32 $0x7FF0, s15;
	s14 =	sadd.s32 $0xA, s14;
	[tilespmem:v2+s9+$0x0] =	vst.idx.add.s32.msk $0xffff, v1;
	s13 =	sadd.s32 $0xA0, s13  }
0x68: {  	v2 =	vld [tilespmem:s16+$0x80];
	p0 =	slt.u32 s14, $0x4D3  }
0x69: {  	v3 =	vld [tilespmem:s13+$0x20]  }
0x6a: {  	v4 =	vld [tilespmem:s13+$0x0]  }
0x6b: {  	v5 =	vld [tilespmem:s13+$0x90]  }
0x6c: {  	v6 =	vld [tilespmem:s13+$0x70]  }
0x6d: {  	v7 =	vld [tilespmem:s13+$0x60]  }
0x6e: {  	v8 =	vld [tilespmem:s13+$0x50]  }
0x6f: {  	v9 =	vld [tilespmem:s13+$0x40]  }
0x70: {  	[tilespmem:v2+s9+$0x0] =	vst.idx.add.s32.msk $0xffff, v1  }
0x71: {  	v10 =	vld [tilespmem:s13+$0x30]  }
0x72: {  	[tilespmem:v4+s9+$0x0] =	vst.idx.add.s32.msk $0xffff, v1  }
0x73: {  	v2 =	vld [tilespmem:s13+$0x10]  }
0x74: {  	[tilespmem:v6+s9+$0x0] =	vst.idx.add.s32.msk $0xffff, v1  }
0x75: {  	[tilespmem:v7+s9+$0x0] =	vst.idx.add.s32.msk $0xffff, v1  }
.Ltmp3:
0x76: {  	[tilespmem:v8+s9+$0x0] =	vst.idx.add.s32.msk $0xffff, v1;
	(pc) =	sbr.rel @p0 .LBB2_8-.Ltmp3, $4  }
0x77: {  	[tilespmem:v9+s9+$0x0] =	vst.idx.add.s32.msk $0xffff, v1  }
0x78: {  	[tilespmem:v5+s9+$0x0] =	vst.idx.add.s32.msk $0xffff, v1  }
0x79: {  	[tilespmem:v10+s9+$0x0] =	vst.idx.add.s32.msk $0xffff, v1  }
0x7a: {  	s15 =	sadd.s32 $0xA0, s15;
	s16 =	simm.s32 $0x0;
	[tilespmem:v3+s9+$0x0] =	vst.idx.add.s32.msk $0xffff, v1  }
0x7b: {  	_ =	sdelay $0x3  }
0x7c: {  	[tilespmem:v2+s9+$0x0] =	vst.idx.add.s32.msk $0xffff, v1  }
.LBB2_10:
0x7d: {  	s13 =	sshra.s32 s16, $0x2  }
0x7e: {  	v2 =	vld [tilespmem:s13+$0x4DD0];
	_ =	sdelay $0x2  }
0x7f: {  	p0 =	sne.s32 s16, $0x100  }
.Ltmp4:
0x80: {  	_ = 	snop;
	(pc) =	sbr.rel @p0 .LBB2_10-.Ltmp4, $2  }
0x81: {  	_ =	sdelay $0x2  }
0x82: {  	s16 =	sadd.s32 $0x40, s16;
	[tilespmem:v2+s9+$0x0] =	vst.idx.add.s32.msk $0xffff, v1  }
0x83: {  	s12 =	sadd.s32 $0x1, s12  }
0x84: {  	p0 =	sne.s32 s12, s6  }
.Ltmp5:
0x85: {  	_ = 	snop;
	(pc) =	sbr.rel @p0 .LBB2_1-.Ltmp5, $4  }
0x86: {  	[hbm4b:s5+s2] =	stream.linear.scatter [tilespmem:s9], [sflag:$0x3], $0x2800, $0x38;
	[tilespmem:$0x7680] =	vst v63  }
0x87: {  	_ =	swait.ge [sflag:s11], $0x2800  }
0x88: {  	[sflag:s11] =	ssyncset.done $0x0  }
0x89: {  	[sflag:s11] =	ssyncadd.s32 $0xFFFFD800  }
0x8a: {  	_ =	sfence.sel $0x180000  }
0x8b: {  	[bflag:$0x0] =	sbarrier.arrive $0xFFFF  }
0x8c: {  	p0 =	sne.s32 s1, $0x0;
	_ =	strace $0x90000047  }
0x8d: {  	s0 =	sadd.s32 @!p0 $0x100000, s0;
	[bflag:$0x2] =	sbarrier.arrive $0xFFFF  }
0x8e: {  	[sflag:s0] =	ssyncadd.tile.s32 @!p0 $0x1;
	_ =	shalt  }
.Lfunc_end2:
_tile_overlayer_lowered:
.L_overlay_start_2:
0x8f: {  	(tag) =	ssettag $0x2  }
0x90: {  	s0 =	rddreg [dreg:$0x0];
	s2 =	stileid.u32  }
0x91: {  	s1 =	rddreg [dreg:$0x1];
	p0 =	sne.s32 s2, $0x0  }
0x92: {  	s3 =	rddreg [dreg:$0x2];
	[bflag:$0x3] =	sbarrier.arrive $0xFFFF;
	s2 =	simm.s32 @!p0 $0x1C03  }
0x93: {  	[timem:s3], [sflag:s2] =	dma.local @!p0 [hbm:s0], s1  }
0x94: {  	s0 =	simm.s32 @!p0 $0x3  }
0x95: {  	_ =	swait.ge @!p0 [sflag:s0], s1  }
0x96: {  	s1 =	ssub.s32 @!p0 $0x0, s1;
	[sflag:s0] =	ssyncset.done @!p0 $0x0  }
0x97: {  	[sflag:s0] =	ssyncadd.s32 @!p0 s1  }
0x98: {  	[bflag:$0x3] =	sbarrier.arrive $0xFFFF  }
0x99: {  	_ =	shalt  }

</sc_bundles>
